<compile_context>
chip_gen: v7x
topology: tpu7x:2x2x1
jax: 0.10.2.dev20260603
libtpu: 0.0.44.dev20260713+nightly
codegen_flags: <defaults>
</compile_context>

<pallas_src>
import functools

import jax
import jax.numpy as jnp
from jax import lax
from jax.experimental import pallas as pl
from jax.experimental.pallas import tpu as pltpu
from jax.experimental.pallas import tpu_sc as plsc

_N_FIELDS = 26
_VOCAB = 100000
_EMB = 16
_NUM_CORES = 2
_NUM_SUBCORES = 16
_LANES = 16
_OCHUNK = 2048
_UNROLL = 8


@functools.partial(jax.jit, static_argnums=())
def _embedding_gather_t(x_t, tab_t):
    n_fields, batch = x_t.shape
    n_cols = n_fields * _EMB
    n_workers = _NUM_CORES * _NUM_SUBCORES
    cols_per_w = n_cols // n_workers
    n_blocks = batch // _OCHUNK
    groups = _OCHUNK // (_LANES * _UNROLL)
    mesh = plsc.VectorSubcoreMesh(core_axis_name="c", subcore_axis_name="s")

    def body(x_hbm, tab_hbm, out_hbm, col_v, idx_v, ob0, ob1, wsem0, wsem1):
        wid = lax.axis_index("s") * _NUM_CORES + lax.axis_index("c")
        obufs = (ob0, ob1)
        wsems = (wsem0, wsem1)

        def do_col(k, carry):
            j = wid * cols_per_w + k
            f = j // _EMB
            c = j % _EMB
            pltpu.sync_copy(tab_hbm.at[f, c, :], col_v)
            pltpu.sync_copy(x_hbm.at[f, :], idx_v)

            def do_pair(hp, prev):
                for d in range(2):
                    h = hp * 2 + d
                    ob = obufs[d]

                    @pl.when(h >= 2)
                    def _(h=h, ob=ob, d=d):
                        pltpu.make_async_copy(
                            ob,
                            out_hbm.at[j, pl.ds((h - 2) * _OCHUNK, _OCHUNK)],
                            wsems[d]).wait()

                    @plsc.parallel_loop(0, _OCHUNK, step=_LANES,
                                        unroll=_UNROLL)
                    def _(o, h=h, ob=ob):
                        iv = idx_v[pl.ds(h * _OCHUNK + o, _LANES)]
                        ob[pl.ds(o, _LANES)] = plsc.load_gather(col_v, [iv])
                    pltpu.async_copy(
                        ob, out_hbm.at[j, pl.ds(h * _OCHUNK, _OCHUNK)],
                        wsems[d])
                return prev

            lax.fori_loop(0, n_blocks // 2, do_pair, 0)
            for d in range(2):
                h = n_blocks - 2 + d
                pltpu.make_async_copy(
                    obufs[d],
                    out_hbm.at[j, pl.ds(h * _OCHUNK, _OCHUNK)],
                    wsems[d]).wait()
            return carry

        lax.fori_loop(0, cols_per_w, do_col, 0)

    return pl.kernel(
        body,
        out_type=jax.ShapeDtypeStruct((n_cols, batch), jnp.float32),
        mesh=mesh,
        scratch_types=[
            pltpu.VMEM((_VOCAB,), jnp.float32),
            pltpu.VMEM((batch,), jnp.int32),
            pltpu.VMEM((_OCHUNK,), jnp.float32),
            pltpu.VMEM((_OCHUNK,), jnp.float32),
            pltpu.SemaphoreType.DMA,
            pltpu.SemaphoreType.DMA,
        ],
        compiler_params=pltpu.CompilerParams(use_tc_tiling_on_sc=True,
                                             needs_layout_passes=False),
    )(x_t, tab_t)


def kernel(x, tables):
    x_t = x.T
    tab_t = jnp.transpose(tables, (0, 2, 1))
    out_t = _embedding_gather_t(x_t, tab_t)
    return out_t.T

# --- scband reference (transcript-rebuilt; emitter-appended) ---
"""Pipeline reference for scband-entity-embedding-block-50294067036221 (READ-ONLY COPY).

The authoritative reference and input builder live on the scoring server;
editing this copy changes nothing except your own understanding.
"""

import jax, jax.numpy as jnp
import numpy as np

N_FIELDS = 26
VOCAB = 100000
EMB_DIM = 16
BATCH = 16384


def setup_inputs(seed: int = 0) -> dict:
    key = jax.random.key(seed)
    k_x, k_t = jax.random.split(key)
    x = jax.random.randint(k_x, (BATCH, N_FIELDS), 0, VOCAB, dtype=jnp.int64 if jax.config.jax_enable_x64 else jnp.int32)
    x = x.astype(jnp.int32)
    tables = jax.random.normal(k_t, (N_FIELDS, VOCAB, EMB_DIM), dtype=jnp.float32)
    return {"x": x, "tables": tables}


def reference(x, tables):
    # x: (N, D); cat_idx = [0..25] so x[:, cat_idx] == x
    # Separated entity embeddings: per-field gather, then concat on feature dim.
    xc = x[:, :N_FIELDS]
    embeddings = [jnp.take(tables[i], xc[:, i], axis=0) for i in range(N_FIELDS)]
    return jnp.concatenate(embeddings, axis=1)

if __name__ == "__main__":
    import jax
    _d = setup_inputs()
    print(jax.jit(kernel)(*tuple(_d.values())))

</pallas_src>

<mosaic_0001>
#map = affine_map<(d0, d1) -> (0, 0)>
#map1 = affine_map<(d0, d1) -> (0, 0, 0)>
module attributes {stable_mosaic.version = 14 : i64} {
  func.func @body(%arg0: i32, %arg1: i32, %arg2: memref<26x16384xi32, #tpu.memory_space<hbm>>, %arg3: memref<26x16x100000xf32, #tpu.memory_space<hbm>>, %arg4: memref<416x16384xf32, #tpu.memory_space<hbm>>, %arg5: memref<100000xf32, #tpu.memory_space<vmem>>, %arg6: memref<16384xi32, #tpu.memory_space<vmem>>, %arg7: memref<2048xf32, #tpu.memory_space<vmem>>, %arg8: memref<2048xf32, #tpu.memory_space<vmem>>, %arg9: memref<!tpu.dma_semaphore, #tpu.memory_space<semaphore_mem>>, %arg10: memref<!tpu.dma_semaphore, #tpu.memory_space<semaphore_mem>>) attributes {dimension_semantics = [#tpu.dimension_semantics<core_parallel>, #tpu.dimension_semantics<subcore_parallel>], iteration_bounds = array<i64: 2, 16>, scalar_prefetch = 0 : i64, scratch_operands = 6 : i64, tpu.core_type = #tpu.core_type<sc_vector_subcore>, window_params = [{transform_indices = #map}, {transform_indices = #map1}, {transform_indices = #map}]} {
    %mul3A = arith.constant 2 : i32
    %mul3A_0 = arith.muli %arg1, %mul3A : i32
    %add3A = arith.addi %mul3A_0, %arg0 : i32
    %scan3A = arith.constant 0 : i32
    %scan3A_1 = arith.constant 0 : i32
    %scan3A_2 = arith.constant 13 : i32
    %scan3A_3 = arith.addi %scan3A_1, %scan3A_2 : i32
    %scan3A_4 = arith.constant 1 : i32
    scf.for %scan3A_6 = %scan3A_1 to %scan3A_3 step %scan3A_4  : i32 {
      %mul3A_7 = arith.constant 13 : i32
      %mul3A_8 = arith.muli %add3A, %mul3A_7 : i32
      %add3A_9 = arith.addi %mul3A_8, %scan3A_6 : i32
      %jit3A = arith.constant 16 : i32
      %div3A = arith.divsi %add3A_9, %jit3A : i32
      %sign3A = arith.constant 0 : i32
      %sign3A_10 = arith.cmpi sgt, %add3A_9, %sign3A : i32
      %sign3A_11 = arith.extui %sign3A_10 : i1 to i32
      %sign3A_12 = arith.constant 0 : i32
      %sign3A_13 = arith.cmpi slt, %add3A_9, %sign3A_12 : i32
      %sign3A_14 = arith.extui %sign3A_13 : i1 to i32
      %sign3A_15 = arith.subi %sign3A_11, %sign3A_14 : i32
      %sign3A_16 = arith.constant 0 : i32
      %sign3A_17 = arith.cmpi sgt, %jit3A, %sign3A_16 : i32
      %sign3A_18 = arith.extui %sign3A_17 : i1 to i32
      %sign3A_19 = arith.constant 0 : i32
      %sign3A_20 = arith.cmpi slt, %jit3A, %sign3A_19 : i32
      %sign3A_21 = arith.extui %sign3A_20 : i1 to i32
      %sign3A_22 = arith.subi %sign3A_18, %sign3A_21 : i32
      %ne3A = arith.cmpi ne, %sign3A_15, %sign3A_22 : i32
      %rem3A = arith.remsi %add3A_9, %jit3A : i32
      %ne3A_23 = arith.constant 0 : i32
      %ne3A_24 = arith.cmpi ne, %rem3A, %ne3A_23 : i32
      %and3A = arith.andi %ne3A, %ne3A_24 : i1
      %sub3A = arith.constant 1 : i32
      %sub3A_25 = arith.subi %div3A, %sub3A : i32
      %select_n3A = arith.select %and3A, %sub3A_25, %div3A : i32
      %jit3A_26 = arith.constant 16 : i32
      %eq3A = arith.constant 0 : i32
      %eq3A_27 = arith.cmpi eq, %jit3A_26, %eq3A : i32
      %jit3A_28 = arith.constant 1 : i32
      %select_n3A_29 = arith.select %eq3A_27, %jit3A_28, %jit3A_26 : i32
      %rem3A_30 = arith.remsi %add3A_9, %select_n3A_29 : i32
      %ne3A_31 = arith.constant 0 : i32
      %ne3A_32 = arith.cmpi ne, %rem3A_30, %ne3A_31 : i32
      %lt3A = arith.constant 0 : i32
      %lt3A_33 = arith.cmpi slt, %rem3A_30, %lt3A : i32
      %lt3A_34 = arith.constant 0 : i32
      %lt3A_35 = arith.cmpi slt, %select_n3A_29, %lt3A_34 : i32
      %ne3A_36 = arith.xori %lt3A_33, %lt3A_35 : i1
      %and3A_37 = arith.andi %ne3A_36, %ne3A_32 : i1
      %add3A_38 = arith.addi %rem3A_30, %select_n3A_29 : i32
      %select_n3A_39 = arith.select %and3A_37, %add3A_38, %rem3A_30 : i32
      "tpu.region"() ({
        %run_scoped3A = tpu.sem_alloc : memref<!tpu.dma_semaphore, #tpu.memory_space<semaphore_mem>>
        %dma_start3A = arith.constant 0 : i32
        %dma_start3A_57 = tpu.memref_slice %arg3[%select_n3A, %select_n3A_39, %dma_start3A] : memref<26x16x100000xf32, #tpu.memory_space<hbm>> -> memref<1x1x100000xf32, #tpu.memory_space<hbm>>
        %dma_start3A_58 = tpu.memref_squeeze %dma_start3A_57 : memref<1x1x100000xf32, #tpu.memory_space<hbm>> -> memref<100000xf32, #tpu.memory_space<hbm>>
        %dma_start3A_59 = arith.constant 0 : i32
        %dma_start3A_60 = tpu.memref_slice %arg3[%select_n3A, %select_n3A_39, %dma_start3A_59] : memref<26x16x100000xf32, #tpu.memory_space<hbm>> -> memref<1x1x100000xf32, #tpu.memory_space<hbm>>
        %dma_start3A_61 = tpu.memref_squeeze %dma_start3A_60 : memref<1x1x100000xf32, #tpu.memory_space<hbm>> -> memref<100000xf32, #tpu.memory_space<hbm>>
        tpu.enqueue_dma source(%dma_start3A_61 : memref<100000xf32, #tpu.memory_space<hbm>>) target(%arg5 : memref<100000xf32, #tpu.memory_space<vmem>>) target_semaphore(%run_scoped3A : memref<!tpu.dma_semaphore, #tpu.memory_space<semaphore_mem>>)
        %dma_wait3A_62 = arith.constant 0 : i32
        %dma_wait3A_63 = tpu.memref_slice %arg3[%select_n3A, %select_n3A_39, %dma_wait3A_62] : memref<26x16x100000xf32, #tpu.memory_space<hbm>> -> memref<1x1x100000xf32, #tpu.memory_space<hbm>>
        %dma_wait3A_64 = tpu.memref_squeeze %dma_wait3A_63 : memref<1x1x100000xf32, #tpu.memory_space<hbm>> -> memref<100000xf32, #tpu.memory_space<hbm>>
        %dma_wait3A_65 = arith.constant 0 : i32
        %dma_wait3A_66 = tpu.memref_slice %arg3[%select_n3A, %select_n3A_39, %dma_wait3A_65] : memref<26x16x100000xf32, #tpu.memory_space<hbm>> -> memref<1x1x100000xf32, #tpu.memory_space<hbm>>
        %dma_wait3A_67 = tpu.memref_squeeze %dma_wait3A_66 : memref<1x1x100000xf32, #tpu.memory_space<hbm>> -> memref<100000xf32, #tpu.memory_space<hbm>>
        tpu.wait_dma2 semaphore(%run_scoped3A : memref<!tpu.dma_semaphore, #tpu.memory_space<semaphore_mem>>) src(%dma_wait3A_67 : memref<100000xf32, #tpu.memory_space<hbm>>) dst(%arg5 : memref<100000xf32, #tpu.memory_space<vmem>>)
        tpu.yield
      }) : () -> ()
      "tpu.region"() ({
        %run_scoped3A = tpu.sem_alloc : memref<!tpu.dma_semaphore, #tpu.memory_space<semaphore_mem>>
        %dma_start3A = arith.constant 0 : i32
        %dma_start3A_57 = tpu.memref_slice %arg2[%select_n3A, %dma_start3A] : memref<26x16384xi32, #tpu.memory_space<hbm>> -> memref<1x16384xi32, #tpu.memory_space<hbm>>
        %dma_start3A_58 = tpu.memref_squeeze %dma_start3A_57 : memref<1x16384xi32, #tpu.memory_space<hbm>> -> memref<16384xi32, #tpu.memory_space<hbm>>
        %dma_start3A_59 = arith.constant 0 : i32
        %dma_start3A_60 = tpu.memref_slice %arg2[%select_n3A, %dma_start3A_59] : memref<26x16384xi32, #tpu.memory_space<hbm>> -> memref<1x16384xi32, #tpu.memory_space<hbm>>
        %dma_start3A_61 = tpu.memref_squeeze %dma_start3A_60 : memref<1x16384xi32, #tpu.memory_space<hbm>> -> memref<16384xi32, #tpu.memory_space<hbm>>
        tpu.enqueue_dma source(%dma_start3A_61 : memref<16384xi32, #tpu.memory_space<hbm>>) target(%arg6 : memref<16384xi32, #tpu.memory_space<vmem>>) target_semaphore(%run_scoped3A : memref<!tpu.dma_semaphore, #tpu.memory_space<semaphore_mem>>)
        %dma_wait3A_62 = arith.constant 0 : i32
        %dma_wait3A_63 = tpu.memref_slice %arg2[%select_n3A, %dma_wait3A_62] : memref<26x16384xi32, #tpu.memory_space<hbm>> -> memref<1x16384xi32, #tpu.memory_space<hbm>>
        %dma_wait3A_64 = tpu.memref_squeeze %dma_wait3A_63 : memref<1x16384xi32, #tpu.memory_space<hbm>> -> memref<16384xi32, #tpu.memory_space<hbm>>
        %dma_wait3A_65 = arith.constant 0 : i32
        %dma_wait3A_66 = tpu.memref_slice %arg2[%select_n3A, %dma_wait3A_65] : memref<26x16384xi32, #tpu.memory_space<hbm>> -> memref<1x16384xi32, #tpu.memory_space<hbm>>
        %dma_wait3A_67 = tpu.memref_squeeze %dma_wait3A_66 : memref<1x16384xi32, #tpu.memory_space<hbm>> -> memref<16384xi32, #tpu.memory_space<hbm>>
        tpu.wait_dma2 semaphore(%run_scoped3A : memref<!tpu.dma_semaphore, #tpu.memory_space<semaphore_mem>>) src(%dma_wait3A_67 : memref<16384xi32, #tpu.memory_space<hbm>>) dst(%arg6 : memref<16384xi32, #tpu.memory_space<vmem>>)
        tpu.yield
      }) : () -> ()
      %scan3A_40 = arith.constant 0 : i32
      %scan3A_41 = arith.constant 0 : i32
      %scan3A_42 = arith.constant 4 : i32
      %scan3A_43 = arith.addi %scan3A_41, %scan3A_42 : i32
      %scan3A_44 = arith.constant 1 : i32
      scf.for %scan3A_57 = %scan3A_41 to %scan3A_43 step %scan3A_44  : i32 {
        %mul3A_58 = arith.constant 2 : i32
        %mul3A_59 = arith.muli %scan3A_57, %mul3A_58 : i32
        %add3A_60 = arith.constant 0 : i32
        %add3A_61 = arith.addi %mul3A_59, %add3A_60 : i32
        %ge3A = arith.constant 2 : i32
        %ge3A_62 = arith.cmpi sge, %add3A_61, %ge3A : i32
        %convert_element_type3A = arith.extui %ge3A_62 : i1 to i32
        %cond3A = arith.constant 0 : i32
        %cond3A_63 = arith.cmpi ne, %convert_element_type3A, %cond3A : i32
        scf.if %cond3A_63 {
          %sub3A_89 = arith.constant 2 : i32
          %sub3A_90 = arith.subi %add3A_61, %sub3A_89 : i32
          %mul3A_91 = arith.constant 2048 : i32
          %mul3A_92 = arith.muli %sub3A_90, %mul3A_91 : i32
          %dma_wait3A_93 = tpu.memref_slice %arg4[%add3A_9, %mul3A_92] : memref<416x16384xf32, #tpu.memory_space<hbm>> -> memref<1x2048xf32, #tpu.memory_space<hbm>>
          %dma_wait3A_94 = tpu.memref_squeeze %dma_wait3A_93 : memref<1x2048xf32, #tpu.memory_space<hbm>> -> memref<2048xf32, #tpu.memory_space<hbm>>
          %dma_wait3A_95 = tpu.memref_slice %arg4[%add3A_9, %mul3A_92] : memref<416x16384xf32, #tpu.memory_space<hbm>> -> memref<1x2048xf32, #tpu.memory_space<hbm>>
          %dma_wait3A_96 = tpu.memref_squeeze %dma_wait3A_95 : memref<1x2048xf32, #tpu.memory_space<hbm>> -> memref<2048xf32, #tpu.memory_space<hbm>>
          tpu.wait_dma2 semaphore(%arg9 : memref<!tpu.dma_semaphore, #tpu.memory_space<semaphore_mem>>) src(%arg7 : memref<2048xf32, #tpu.memory_space<vmem>>) dst(%dma_wait3A_96 : memref<2048xf32, #tpu.memory_space<hbm>>)
        } else {
        }
        %parallel_loop3A = arith.constant 0 : i32
        %parallel_loop3A_64 = arith.constant 2048 : i32
        %parallel_loop3A_65 = arith.constant 16 : i32
        scf.for %parallel_loop3A_89 = %parallel_loop3A to %parallel_loop3A_64 step %parallel_loop3A_65  : i32 {
          %parallel_loop3A_90 = arith.constant 2048 : i32
          %parallel_loop3A_91 = arith.muli %add3A_61, %parallel_loop3A_90 : i32
          %parallel_loop3A_92 = arith.addi %parallel_loop3A_91, %parallel_loop3A_89 : i32
          %parallel_loop3A_93 = arith.index_cast %parallel_loop3A_92 : i32 to index
          %parallel_loop3A_94 = tpu.vector_load %arg6[%parallel_loop3A_93] {strides = array<i32>} : memref<16384xi32, #tpu.memory_space<vmem>>, vector<16xi32>,
          %parallel_loop3A_95 = tpu.vector_load_idx %arg5[%parallel_loop3A_94] : memref<100000xf32, #tpu.memory_space<vmem>>[vector<16xi32>], vector<16xf32>,
          %parallel_loop3A_96 = arith.index_cast %parallel_loop3A_89 : i32 to index
          %parallel_loop3A_97 = tpu.vector_load %arg7[%parallel_loop3A_96] {strides = array<i32>} : memref<2048xf32, #tpu.memory_space<vmem>>, vector<16xf32>,
          tpu.vector_store %arg7[%parallel_loop3A_96], %parallel_loop3A_95 {strides = array<i32>} : memref<2048xf32, #tpu.memory_space<vmem>>, vector<16xf32>,
        } {sc.loop_unroll_factor = 8 : i64, sc.parallel_access}
        %mul3A_66 = arith.constant 2048 : i32
        %mul3A_67 = arith.muli %add3A_61, %mul3A_66 : i32
        %dma_start3A = tpu.memref_slice %arg4[%add3A_9, %mul3A_67] : memref<416x16384xf32, #tpu.memory_space<hbm>> -> memref<1x2048xf32, #tpu.memory_space<hbm>>
        %dma_start3A_68 = tpu.memref_squeeze %dma_start3A : memref<1x2048xf32, #tpu.memory_space<hbm>> -> memref<2048xf32, #tpu.memory_space<hbm>>
        %dma_start3A_69 = tpu.memref_slice %arg4[%add3A_9, %mul3A_67] : memref<416x16384xf32, #tpu.memory_space<hbm>> -> memref<1x2048xf32, #tpu.memory_space<hbm>>
        %dma_start3A_70 = tpu.memref_squeeze %dma_start3A_69 : memref<1x2048xf32, #tpu.memory_space<hbm>> -> memref<2048xf32, #tpu.memory_space<hbm>>
        tpu.enqueue_dma source(%arg7 : memref<2048xf32, #tpu.memory_space<vmem>>) target(%dma_start3A_70 : memref<2048xf32, #tpu.memory_space<hbm>>) target_semaphore(%arg9 : memref<!tpu.dma_semaphore, #tpu.memory_space<semaphore_mem>>)
        %mul3A_71 = arith.constant 2 : i32
        %mul3A_72 = arith.muli %scan3A_57, %mul3A_71 : i32
        %add3A_73 = arith.constant 1 : i32
        %add3A_74 = arith.addi %mul3A_72, %add3A_73 : i32
        %ge3A_75 = arith.constant 2 : i32
        %ge3A_76 = arith.cmpi sge, %add3A_74, %ge3A_75 : i32
        %convert_element_type3A_77 = arith.extui %ge3A_76 : i1 to i32
        %cond3A_78 = arith.constant 0 : i32
        %cond3A_79 = arith.cmpi ne, %convert_element_type3A_77, %cond3A_78 : i32
        scf.if %cond3A_79 {
          %sub3A_89 = arith.constant 2 : i32
          %sub3A_90 = arith.subi %add3A_74, %sub3A_89 : i32
          %mul3A_91 = arith.constant 2048 : i32
          %mul3A_92 = arith.muli %sub3A_90, %mul3A_91 : i32
          %dma_wait3A_93 = tpu.memref_slice %arg4[%add3A_9, %mul3A_92] : memref<416x16384xf32, #tpu.memory_space<hbm>> -> memref<1x2048xf32, #tpu.memory_space<hbm>>
          %dma_wait3A_94 = tpu.memref_squeeze %dma_wait3A_93 : memref<1x2048xf32, #tpu.memory_space<hbm>> -> memref<2048xf32, #tpu.memory_space<hbm>>
          %dma_wait3A_95 = tpu.memref_slice %arg4[%add3A_9, %mul3A_92] : memref<416x16384xf32, #tpu.memory_space<hbm>> -> memref<1x2048xf32, #tpu.memory_space<hbm>>
          %dma_wait3A_96 = tpu.memref_squeeze %dma_wait3A_95 : memref<1x2048xf32, #tpu.memory_space<hbm>> -> memref<2048xf32, #tpu.memory_space<hbm>>
          tpu.wait_dma2 semaphore(%arg10 : memref<!tpu.dma_semaphore, #tpu.memory_space<semaphore_mem>>) src(%arg8 : memref<2048xf32, #tpu.memory_space<vmem>>) dst(%dma_wait3A_96 : memref<2048xf32, #tpu.memory_space<hbm>>)
        } else {
        }
        %parallel_loop3A_80 = arith.constant 0 : i32
        %parallel_loop3A_81 = arith.constant 2048 : i32
        %parallel_loop3A_82 = arith.constant 16 : i32
        scf.for %parallel_loop3A_89 = %parallel_loop3A_80 to %parallel_loop3A_81 step %parallel_loop3A_82  : i32 {
          %parallel_loop3A_90 = arith.constant 2048 : i32
          %parallel_loop3A_91 = arith.muli %add3A_74, %parallel_loop3A_90 : i32
          %parallel_loop3A_92 = arith.addi %parallel_loop3A_91, %parallel_loop3A_89 : i32
          %parallel_loop3A_93 = arith.index_cast %parallel_loop3A_92 : i32 to index
          %parallel_loop3A_94 = tpu.vector_load %arg6[%parallel_loop3A_93] {strides = array<i32>} : memref<16384xi32, #tpu.memory_space<vmem>>, vector<16xi32>,
          %parallel_loop3A_95 = tpu.vector_load_idx %arg5[%parallel_loop3A_94] : memref<100000xf32, #tpu.memory_space<vmem>>[vector<16xi32>], vector<16xf32>,
          %parallel_loop3A_96 = arith.index_cast %parallel_loop3A_89 : i32 to index
          %parallel_loop3A_97 = tpu.vector_load %arg8[%parallel_loop3A_96] {strides = array<i32>} : memref<2048xf32, #tpu.memory_space<vmem>>, vector<16xf32>,
          tpu.vector_store %arg8[%parallel_loop3A_96], %parallel_loop3A_95 {strides = array<i32>} : memref<2048xf32, #tpu.memory_space<vmem>>, vector<16xf32>,
        } {sc.loop_unroll_factor = 8 : i64, sc.parallel_access}
        %mul3A_83 = arith.constant 2048 : i32
        %mul3A_84 = arith.muli %add3A_74, %mul3A_83 : i32
        %dma_start3A_85 = tpu.memref_slice %arg4[%add3A_9, %mul3A_84] : memref<416x16384xf32, #tpu.memory_space<hbm>> -> memref<1x2048xf32, #tpu.memory_space<hbm>>
        %dma_start3A_86 = tpu.memref_squeeze %dma_start3A_85 : memref<1x2048xf32, #tpu.memory_space<hbm>> -> memref<2048xf32, #tpu.memory_space<hbm>>
        %dma_start3A_87 = tpu.memref_slice %arg4[%add3A_9, %mul3A_84] : memref<416x16384xf32, #tpu.memory_space<hbm>> -> memref<1x2048xf32, #tpu.memory_space<hbm>>
        %dma_start3A_88 = tpu.memref_squeeze %dma_start3A_87 : memref<1x2048xf32, #tpu.memory_space<hbm>> -> memref<2048xf32, #tpu.memory_space<hbm>>
        tpu.enqueue_dma source(%arg8 : memref<2048xf32, #tpu.memory_space<vmem>>) target(%dma_start3A_88 : memref<2048xf32, #tpu.memory_space<hbm>>) target_semaphore(%arg10 : memref<!tpu.dma_semaphore, #tpu.memory_space<semaphore_mem>>)
      }
      %scan3A_45 = arith.constant 4 : i32
      %dma_wait3A = arith.constant 12288 : i32
      %dma_wait3A_46 = tpu.memref_slice %arg4[%add3A_9, %dma_wait3A] : memref<416x16384xf32, #tpu.memory_space<hbm>> -> memref<1x2048xf32, #tpu.memory_space<hbm>>
      %dma_wait3A_47 = tpu.memref_squeeze %dma_wait3A_46 : memref<1x2048xf32, #tpu.memory_space<hbm>> -> memref<2048xf32, #tpu.memory_space<hbm>>
      %dma_wait3A_48 = arith.constant 12288 : i32
      %dma_wait3A_49 = tpu.memref_slice %arg4[%add3A_9, %dma_wait3A_48] : memref<416x16384xf32, #tpu.memory_space<hbm>> -> memref<1x2048xf32, #tpu.memory_space<hbm>>
      %dma_wait3A_50 = tpu.memref_squeeze %dma_wait3A_49 : memref<1x2048xf32, #tpu.memory_space<hbm>> -> memref<2048xf32, #tpu.memory_space<hbm>>
      tpu.wait_dma2 semaphore(%arg9 : memref<!tpu.dma_semaphore, #tpu.memory_space<semaphore_mem>>) src(%arg7 : memref<2048xf32, #tpu.memory_space<vmem>>) dst(%dma_wait3A_50 : memref<2048xf32, #tpu.memory_space<hbm>>)
      %dma_wait3A_51 = arith.constant 14336 : i32
      %dma_wait3A_52 = tpu.memref_slice %arg4[%add3A_9, %dma_wait3A_51] : memref<416x16384xf32, #tpu.memory_space<hbm>> -> memref<1x2048xf32, #tpu.memory_space<hbm>>
      %dma_wait3A_53 = tpu.memref_squeeze %dma_wait3A_52 : memref<1x2048xf32, #tpu.memory_space<hbm>> -> memref<2048xf32, #tpu.memory_space<hbm>>
      %dma_wait3A_54 = arith.constant 14336 : i32
      %dma_wait3A_55 = tpu.memref_slice %arg4[%add3A_9, %dma_wait3A_54] : memref<416x16384xf32, #tpu.memory_space<hbm>> -> memref<1x2048xf32, #tpu.memory_space<hbm>>
      %dma_wait3A_56 = tpu.memref_squeeze %dma_wait3A_55 : memref<1x2048xf32, #tpu.memory_space<hbm>> -> memref<2048xf32, #tpu.memory_space<hbm>>
      tpu.wait_dma2 semaphore(%arg10 : memref<!tpu.dma_semaphore, #tpu.memory_space<semaphore_mem>>) src(%arg8 : memref<2048xf32, #tpu.memory_space<vmem>>) dst(%dma_wait3A_56 : memref<2048xf32, #tpu.memory_space<hbm>>)
    }
    %scan3A_5 = arith.constant 13 : i32
    return
  }
}

</mosaic_0001>

<sc_bundles>
// kernel: _embedding_gather_t.3.cloned.1.call-start
scs
__scs_entry_jumppad:
0x0: {  	(pc) =	sbr.rel $0x88, $3  }
0x1: {  	(tag) =	ssettag $0x0;
	lr =	simm.s32 $0x1  }
0x2: {  	[smem:$0x3F9F] =	sst lr;
	_ =	strace $0xD0000000  }
0x3: {  	_ = 	snop  }
0x4: {  	_ = 	snop  }
0x5: {  	_ = 	snop  }
0x6: {  	_ = 	snop  }
0x7: {  	_ = 	snop  }
__scs_overlays_trampoline_lowered:
0x8: {  	[smem:$0x3FAE] =	sst s0  }
0x9: {  	[smem:$0x3FAF] =	sst s1  }
0xa: {  	[smem:$0x3FB0] =	sst s2  }
0xb: {  	[smem:$0x3FB1] =	sst s3  }
0xc: {  	[smem:$0x3FB2] =	sst s4  }
0xd: {  	[smem:$0x3FB3] =	sst s5  }
0xe: {  	[smem:$0x3FB4] =	sst s6  }
0xf: {  	[smem:$0x3FB5] =	sst s7  }
0x10: {  	[smem:$0x3FB6] =	sst s8  }
0x11: {  	[smem:$0x3FB7] =	sst s9;
	s0 =	simm.s32 @!p0 $0x0  }
0x12: {  	s1 =	sld [smem:$0x3F9D];
	s0 =	simm.s32 @p0 $0x1  }
0x13: {  	[smem:$0x3FB8] =	sst s0;
	s0 =	simm.s32 @!p1 $0x0  }
0x14: {  	s2 =	sld [smem:$0x3F9C];
	s0 =	simm.s32 @p1 $0x1  }
0x15: {  	[smem:$0x3FB9] =	sst s0;
	s0 =	simm.s32 @!p2 $0x0  }
0x16: {  	s3 =	sld [smem:$0x3FDB];
	s0 =	simm.s32 @p2 $0x1  }
0x17: {  	s4 =	simm.s32 $0x1BF5;
	[smem:$0x3FBB] =	sst s0  }
0x18: {  	s0 =	sld [smem:$0x3F9E];
	_ =	swait.ge [sflag:s4], $0x0  }
0x19: {  	s7 =	sld [smem:$0x3F9F]  }
0x1a: {  	s8 =	sadd.s32 $0xFFFFE003, lr  }
0x1b: {  	s9 =	sadd.s32 $0xFFFFFEF7, lr;
	s5 =	simm.s32 $0xFFFFFFFF;
	p2 =	slt.u32 s8, $0xFFFFF086  }
0x1c: {  	p1 =	slt.u32 s9, $0xF7A;
	s5 =	simm.s32 @!p2 $0x0  }
0x1d: {  	s5 =	simm.s32 @p1 $0x1;
	p0 =	seq.s32 s7, s2  }
0x1e: {  	s7 =	smul.u32 @!p0 $0xF7A, s2;
	p2 =	seq.s32 @!p0 s5, $0x0  }
0x1f: {  	s9 =	smul.u32 $0xF7A, s1;
	s8 =	simm.s32 @!p0 $0x1BF5;
	p2 =	por !p2, p0  }
0x20: {  	[sflag:s8] =	ssyncset.s32 @!p0 $0xFFFFF086;
	s6 =	sadd.s32 @!p0 s3, s7;
	s7 =	simm.s32 @!p0 $0x108  }
0x21: {  	s3 =	sadd.s32 s3, s9;
	s6 =	sadd.s32 @!p0 $0x88, s6;
	s7 =	simm.s32 @p2 $0x1082  }
0x22: {  	[simem:s7], [sflag:s8] =	dma.local @!p0 [hbm:s6], $0xF7A  }
0x23: {  	s9 =	sor.u32 $0xD0000000, s2;
	s6 =	simm.s32 $0x108;
	_ =	swait.ge @!p0 [sflag:s8], $0x0  }
0x24: {  	s3 =	sadd.s32 $0x88, s3;
	s6 =	simm.s32 @!p1 $0x1082;
	[sflag:s4] =	ssyncset.s32 $0xFFFFF086  }
0x25: {  	[simem:s6], [sflag:s4] =	dma.local [hbm:s3], $0xF7A  }
0x26: {  	[smem:$0x3F9F] =	sst s1;
	(tag) =	ssettag s2;
	_ =	strace s9  }
0x27: {  	s1 =	sld [smem:$0x3FAF]  }
0x28: {  	s2 =	sld [smem:$0x3FB0]  }
0x29: {  	s4 =	sld [smem:$0x3FB2]  }
0x2a: {  	p0 =	seq.s32 s5, $0x0;
	s5 =	sld [smem:$0x3FB3]  }
0x2b: {  	s6 =	sld [smem:$0x3FB4]  }
0x2c: {  	s7 =	sld [smem:$0x3FB5]  }
0x2d: {  	s3 =	simm.s32 $0x108;
	s8 =	sld [smem:$0x3FB6]  }
0x2e: {  	s3 =	simm.s32 @!p0 $0x1082;
	s9 =	sld [smem:$0x3FB7]  }
0x2f: {  	lr =	sadd.s32 s0, s3;
	s0 =	sld [smem:$0x3FAE]  }
0x30: {  	s3 =	sld [smem:$0x3FB1]  }
0x31: {  	[smem:$0x3FBA] =	sst s10  }
0x32: {  	s10 =	sld [smem:$0x3FB8];
	_ =	sdelay $0x3  }
0x33: {  	p0 =	seq.s32 s10, $0x1;
	s10 =	sld [smem:$0x3FBA];
	_ =	sdelay $0x3  }
0x34: {  	[smem:$0x3FBA] =	sst s10  }
0x35: {  	s10 =	sld [smem:$0x3FB9];
	_ =	sdelay $0x3  }
0x36: {  	p1 =	seq.s32 s10, $0x1;
	s10 =	sld [smem:$0x3FBA];
	_ =	sdelay $0x3  }
0x37: {  	[smem:$0x3FBA] =	sst s10  }
0x38: {  	s10 =	sld [smem:$0x3FBB]  }
0x39: {  	_ = 	snop;
	(pc) =	sbr.ind lr, $3  }
0x3a: {  	_ = 	snop  }
0x3b: {  	_ = 	snop  }
0x3c: {  	p2 =	seq.s32 s10, $0x1;
	s10 =	sld [smem:$0x3FBA]  }
0x3d: {  	_ =	shalt  }
0x3e: {  	_ =	shalt  }
0x3f: {  	_ =	shalt  }
0x40: {  	_ =	shalt  }
0x41: {  	_ =	shalt  }
0x42: {  	_ =	shalt  }
0x43: {  	_ =	shalt  }
0x44: {  	_ =	shalt  }
0x45: {  	_ =	shalt  }
0x46: {  	_ =	shalt  }
0x47: {  	_ =	shalt  }
0x48: {  	_ =	shalt  }
0x49: {  	_ =	shalt  }
0x4a: {  	_ =	shalt  }
0x4b: {  	_ =	shalt  }
0x4c: {  	_ =	shalt  }
0x4d: {  	_ =	shalt  }
0x4e: {  	_ =	shalt  }
0x4f: {  	_ =	shalt  }
0x50: {  	_ =	shalt  }
0x51: {  	_ =	shalt  }
0x52: {  	_ =	shalt  }
0x53: {  	_ =	shalt  }
0x54: {  	_ =	shalt  }
0x55: {  	_ =	shalt  }
0x56: {  	_ =	shalt  }
0x57: {  	_ =	shalt  }
0x58: {  	_ =	shalt  }
0x59: {  	_ =	shalt  }
0x5a: {  	_ =	shalt  }
0x5b: {  	_ =	shalt  }
0x5c: {  	_ =	shalt  }
0x5d: {  	_ =	shalt  }
0x5e: {  	_ =	shalt  }
0x5f: {  	_ =	shalt  }
0x60: {  	_ =	shalt  }
0x61: {  	_ =	shalt  }
0x62: {  	_ =	shalt  }
0x63: {  	_ =	shalt  }
0x64: {  	_ =	shalt  }
0x65: {  	_ =	shalt  }
0x66: {  	_ =	shalt  }
0x67: {  	_ =	shalt  }
0x68: {  	_ =	shalt  }
0x69: {  	_ =	shalt  }
0x6a: {  	_ =	shalt  }
0x6b: {  	_ =	shalt  }
0x6c: {  	_ =	shalt  }
0x6d: {  	_ =	shalt  }
0x6e: {  	_ =	shalt  }
0x6f: {  	_ =	shalt  }
0x70: {  	_ =	shalt  }
0x71: {  	_ =	shalt  }
0x72: {  	_ =	shalt  }
0x73: {  	_ =	shalt  }
0x74: {  	_ =	shalt  }
0x75: {  	_ =	shalt  }
0x76: {  	_ =	shalt  }
0x77: {  	_ =	shalt  }
0x78: {  	_ =	shalt  }
0x79: {  	_ =	shalt  }
0x7a: {  	_ =	shalt  }
0x7b: {  	_ =	shalt  }
0x7c: {  	_ =	shalt  }
0x7d: {  	_ =	shalt  }
0x7e: {  	_ =	shalt  }
0x7f: {  	_ =	shalt  }
0x80: {  	_ =	shalt  }
0x81: {  	_ =	shalt  }
0x82: {  	_ =	shalt  }
0x83: {  	_ =	shalt  }
0x84: {  	_ =	shalt  }
0x85: {  	_ =	shalt  }
0x86: {  	_ =	shalt  }
0x87: {  	_ =	shalt  }
.Lfunc_end0:
.L_simem_size_0:
called_computation_lowered:
.L_overlay_start_0:
0x88: {  	s2 =	sld [smem:$0x3FD9]  }
0x89: {  	s3 =	sld [smem:$0x3FFE];
	_ =	sdelay $0x1  }
0x8a: {  	s1 =	srdreg.scid  }
0x8b: {  	s0 =	sand.u32 $0x1, s1  }
0x8c: {  	s18 =	sshll.u32 s0, $0xA;
	s2 =	sadd.s32 s3, s2  }
0x8d: {  	s2 =	sadd.s32 s2, s18  }
0x8e: {  	[smem:$0x3FC6] =	sst s2  }
0x8f: {  	_ = 	snop  }
0x90: {  	s2 =	sld [smem:$0x3FC9]  }
0x91: {  	s19 =	sld [smem:$0x3FC8]  }
0x92: {  	s4 =	sld [smem:$0x3FD0];
	(tm) =	ssettm $0x1  }
0x93: {  	s5 =	sld [smem:$0x3FFB];
	_ =	sdelay $0x3  }
0x94: {  	_ =	strace s5  }
0x95: {  	s5 =	sld [smem:$0x3FFC];
	_ =	sdelay $0x3  }
0x96: {  	_ =	strace s5  }
0x97: {  	s5 =	sld [smem:$0x3FFD];
	_ =	sdelay $0x3  }
0x98: {  	_ =	strace s5  }
0x99: {  	_ =	strace $0x8FFFFFFF  }
0x9a: {  	s20 =	sld [smem:$0x3FDB];
	_ =	sdelay $0x1  }
0x9b: {  	s6 =	simm.s32 $_scs_section_size  }
0x9c: {  	s7 =	simm.s32 $_size__tile_overlayer_lowered;
	s8 =	simm.s32 $_tile_overlayer_lowered  }
0x9d: {  	s23 =	simm.s32 $0x1BFF;
	s22 =	sshll.u32 s8, $0x1;
	s5 =	sadd.s32 s6, s20  }
0x9e: {  	s9 =	simm.s32 $0x0;
	s21 =	sshll.u32 s7, $0x1;
	s7 =	sadd.s32 s22, s5  }
0x9f: {  	[timem:s9], [sflag:s23] =	dma.local [hbm:s7], s21  }
0xa0: {  	_ =	swait.ge [sflag:s23], s21  }
0xa1: {  	s6 =	ssub.s32 $0x0, s21;
	[sflag:s23] =	ssyncset.done $0x0  }
0xa2: {  	[sflag:s23] =	ssyncadd.s32 s6;
	_ =	sdelay $0x1  }
0xa3: {  	s24 =	simm.s32 $0x1B8B  }
0xa4: {  	_ =	swait.ge [sflag:s24], $0x1  }
0xa5: {  	[sflag:s24] =	ssyncset.done $0x0  }
0xa6: {  	s25 =	simm.s32 $0x1B8E;
	[sflag:s24] =	ssyncadd.s32 $0xFFFFFFFF  }
0xa7: {  	s26 =	simm.s32 $execute0_lowered;
	[smem:$0x3FD2] =	sst s25  }
0xa8: {  	s6 =	sshll.u32 s26, $0x1;
	_ =	strace $0x80000046;
	[dreg:$0x1] =	wrdreg $0xFFFFFFFF  }
0xa9: {  	s28 =	simm.s32 $_size_execute0_lowered;
	s5 =	sadd.s32 s5, s6;
	[dreg:$0x0] =	wrdreg $0x0  }
0xaa: {  	s6 =	sshll.u32 s28, $0x1;
	[dreg:$0x2] =	wrdreg s5  }
0xab: {  	[dreg:$0x3] =	wrdreg s6  }
0xac: {  	[dreg:$0x4] =	wrdreg $0xC0  }
0xad: {  	_ =	task [dreg:s9], $0x5FFFF  }
0xae: {  	[dreg:$0x1] =	wrdreg $0xFFFFFFFF  }
0xaf: {  	[dreg:$0x0] =	wrdreg $0x60  }
0xb0: {  	[dreg:$0x2] =	wrdreg s2  }
0xb1: {  	[dreg:$0x3] =	wrdreg s19  }
0xb2: {  	[dreg:$0x4] =	wrdreg s4  }
0xb3: {  	[dreg:$0x5] =	wrdreg $0x9  }
0xb4: {  	_ =	task.clear_ibuf [dreg:s9], $0x6FFFF;
	_ =	strace $0x90000046  }
0xb5: {  	s29 =	simm.s32 $0x9;
	_ =	strace $0x80000048  }
0xb6: {  	_ =	swait.ge [sflag:s29], $0x1  }
0xb7: {  	[sflag:s29] =	ssyncadd.s32 $0xFFFFFFFF  }
0xb8: {  	_ =	strace $0x90000048  }
0xb9: {  	_ =	sfence  }
0xba: {  	s30 =	sld [smem:$0x0];
	_ =	sdelay $0x2  }
0xbb: {  	s31 =	sshll.u32 s1, $0xD;
	s1 =	sshrl.u32 s1, $0x2  }
0xbc: {  	s3 =	sand.u32 $0x4000, s31;
	s1 =	sadd.s32 s1, s30  }
0xbd: {  	s0 =	sor.u32 s3, s0;
	s1 =	sshll.u32 s1, $0x11  }
0xbe: {  	s0 =	sor.u32 s1, s0  }
0xbf: {  	s0 =	sadd.s32 $0x8F2B, s0  }
0xc0: {  	[sflag:s0] =	ssyncadd.remote.s32 $0x1  }
0xc1: {  	_ =	sfence.sel $0xFFFF  }
0xc2: {  	[dreg:$0x0] =	wrdreg $0xFFFFFFFF;
	(pc) =	sbr.abs _section_cstart, $3  }
0xc3: {  	[dreg:$0x1] =	wrdreg $0xFFFFFFFF  }
0xc4: {  	_ =	task.clear_ibuf [dreg:s9], $0x2FFFF;
	_ =	strace $0x9FFFFFFF  }
0xc5: {  	(tm) =	ssettm $0x7FFFFFFF  }
tec
execute0_lowered:
.L_overlay_start_1:
0x0: {  	(tag) =	ssettag $0x1  }
0x1: {  	s1 =	rddreg [dreg:$0x0]  }
0x2: {  	s2 =	rddreg [dreg:$0x1];
	s0 =	srdreg.scid  }
0x3: {  	s4 =	rddreg [dreg:$0x2];
	s3 =	stileid.u32  }
0x4: {  	s5 =	simm.s32 $0x0;
	s10 =	simm.s32 $0x3;
	s11 =	simm.s32 $0x18700  }
0x5: {  	s12 =	simm.s32 $0x1C700;
	s13 =	simm.s32 $0x1CF00;
	s14 =	simm.s32 $0x1  }
0x6: {  	s15 =	simm.s32 $0x2;
	s16 =	simm.s32 $0x0;
	s6 =	sand.u32 $0x1, s0  }
0x7: {  	s0 =	rddreg [dreg:$0x3];
	s9 =	sshll.u32 s3, $0x1;
	s7 =	ssub.s32 $0x2, s6  }
0x8: {  	[smem:$0x7FF] =	sst s5;
	s6 =	sor.u32 s6, s9;
	s8 =	sshrl.u32 s7, $0x1  }
0x9: {  	_ =	strace $0x80000047;
	s9 =	simm.s32 $0x400;
	s7 =	ssub.s32 s7, s8  }
0xa: {  	s6 =	smul.u32 $0xD, s6;
	s8 =	simm.s32 $0x80;
	s7 =	smax.u32 s7, $0x1  }
.LBB2_1:
0xb: {  	s17 =	simm.s32 $0x0  }
.LBB2_2:
0xc: {  	s19 =	sadd.s32 s6, s17  }
0xd: {  	s18 =	sshrl.u32 s19, $0x4;
	s20 =	sshll.u32 s19, $0x1C  }
0xe: {  	s18 =	smul.u32 $0x187000, s18;
	s20 =	sshra.s32 s20, $0x1F  }
0xf: {  	s21 =	sshll.u32 s19, $0x7;
	s20 =	sand.u32 $0xC3800, s20  }
0x10: {  	s30 =	sand.u32 $0x380, s21;
	s18 =	sadd.s32 s18, s20  }
0x11: {  	s18 =	sor.u32 s30, s18  }
0x12: {  	s18 =	sshrl.u32 s18, $0x3  }
0x13: {  	s22 =	sadd.s32 s2, s18;
	s18 =	simm.s32 $0x0  }
0x14: {  	[tilespmem:s18], [sflag:$0x3] =	stream.strided.gather [hbm4b:s22+s8], $0x18700, s9, s8, $0x38;
	[tilespmem:$0x1D700] =	vst v63  }
0x15: {  	s31 =	sand.u32 $0x70, s19;
	_ =	swait.ge [sflag:s10], $0x18700  }
0x16: {  	s21 =	sand.u32 $0xFFFC000, s21;
	s22 =	sadd.s32 s1, s31;
	[sflag:s10] =	ssyncset.done $0x0  }
0x17: {  	s19 =	sshll.u32 s19, $0xE;
	s21 =	sadd.s32 s21, s22;
	[sflag:s10] =	ssyncadd.s32 $0xFFFE7900  }
0x18: {  	[tilespmem:s11], [sflag:$0x3] =	stream.strided.gather [hbm4b:s21+s8], $0x4000, s9, s8, $0x38;
	[tilespmem:$0x1D700] =	vst v63  }
0x19: {  	s19 =	sand.u32 $0x7FFE0000, s19;
	_ =	swait.ge [sflag:s10], $0x4000  }
0x1a: {  	s19 =	sor.u32 s30, s19;
	[sflag:s10] =	ssyncset.done $0x0  }
0x1b: {  	s20 =	simm.s32 $0x18740;
	s21 =	simm.s32 $0x18F70;
	[sflag:s10] =	ssyncadd.s32 $0xFFFFC000  }
.LBB2_3:
0x1c: {  	p0 =	seq.s32 s18, $0x0  }
0x1d: {  	s22 =	simm.s32 @!p0 $0x1  }
0x1e: {  	_ =	swait.ge @!p0 [sflag:s22], $0x800  }
0x1f: {  	[sflag:s22] =	ssyncset.done @!p0 $0x0  }
0x20: {  	[sflag:s22] =	ssyncadd.s32 @!p0 $0xFFFFF800  }
0x21: {  	v0 =	vld [tilespmem:s20+$0x30]  }
0x22: {  	v1 =	vld [tilespmem:s20+$0xFFFFFFD0]  }
0x23: {  	v2 =	vld [tilespmem:s20+$0xFFFFFFE0]  }
0x24: {  	v3 =	vld [tilespmem:s20+$0xFFFFFFF0]  }
0x25: {  	v6 =	vld [tilespmem:s20+$0x0]  }
0x26: {  	v7 =	vld [tilespmem:s20+$0x10]  }
0x27: {  	v8 =	vld [tilespmem:s20+$0x20]  }
0x28: {  	v9 =	vld [tilespmem:s20+$0xFFFFFFC0]  }
0x29: {  	v10 =	vld.idx.msk [tilespmem:v0+s5+$0x0], $0xffff  }
0x2a: {  	v11 =	vld.idx.msk [tilespmem:v1+s5+$0x0], $0xffff  }
0x2b: {  	v5 =	vld.idx.msk [tilespmem:v2+s5+$0x0], $0xffff  }
0x2c: {  	v4 =	vld.idx.msk [tilespmem:v3+s5+$0x0], $0xffff  }
0x2d: {  	v2 =	vld.idx.msk [tilespmem:v6+s5+$0x0], $0xffff  }
0x2e: {  	s23 =	simm.s32 $0x1C740;
	v1 =	vld.idx.msk [tilespmem:v7+s5+$0x0], $0xffff  }
0x2f: {  	v0 =	vld.idx.msk [tilespmem:v8+s5+$0x0], $0xffff;
	[tilespmem:s23+$0x30] =	vst v10  }
0x30: {  	s24 =	simm.s32 $0x0;
	s25 =	sadd.s32 $0x80, s20;
	s22 =	sshll.u32 s18, $0x1;
	v3 =	vld.idx.msk [tilespmem:v9+s5+$0x0], $0xffff;
	[tilespmem:s23+$0xFFFFFFD0] =	vst v11  }
.LBB2_4:
0x31: {  	v6 =	vld [tilespmem:s25+$0x30];
	s24 =	sadd.s32 $0x80, s24;
	[tilespmem:s23+$0xFFFFFFE0] =	vst v5  }
0x32: {  	v5 =	vld [tilespmem:s25+$0xFFFFFFD0];
	p1 =	slt.u32 s24, $0x780;
	[tilespmem:s23+$0xFFFFFFF0] =	vst v4  }
0x33: {  	v4 =	vld [tilespmem:s25+$0xFFFFFFE0];
	[tilespmem:s23+$0x0] =	vst v2  }
0x34: {  	v2 =	vld [tilespmem:s25+$0xFFFFFFF0];
	[tilespmem:s23+$0x10] =	vst v1  }
0x35: {  	v1 =	vld [tilespmem:s25+$0x0];
	[tilespmem:s23+$0x20] =	vst v0  }
0x36: {  	v0 =	vld [tilespmem:s25+$0x10];
	[tilespmem:s23+$0xFFFFFFC0] =	vst v3  }
0x37: {  	v3 =	vld [tilespmem:s25+$0x20]  }
0x38: {  	v7 =	vld [tilespmem:s25+$0xFFFFFFC0]  }
0x39: {  	v6 =	vld.idx.msk [tilespmem:v6+s5+$0x0], $0xffff  }
0x3a: {  	v8 =	vld.idx.msk [tilespmem:v5+s5+$0x0], $0xffff  }
0x3b: {  	v5 =	vld.idx.msk [tilespmem:v4+s5+$0x0], $0xffff  }
.Ltmp0:
0x3c: {  	v4 =	vld.idx.msk [tilespmem:v2+s5+$0x0], $0xffff;
	(pc) =	sbr.rel @p1 .LBB2_4-.Ltmp0, $4  }
0x3d: {  	v2 =	vld.idx.msk [tilespmem:v1+s5+$0x0], $0xffff  }
0x3e: {  	s23 =	sadd.s32 $0x80, s23;
	v1 =	vld.idx.msk [tilespmem:v0+s5+$0x0], $0xffff  }
0x3f: {  	v0 =	vld.idx.msk [tilespmem:v3+s5+$0x0], $0xffff;
	[tilespmem:s23+$0x30] =	vst v6  }
0x40: {  	s25 =	sadd.s32 $0x80, s25;
	v3 =	vld.idx.msk [tilespmem:v7+s5+$0x0], $0xffff;
	[tilespmem:s23+$0xFFFFFFD0] =	vst v8  }
0x41: {  	[tilespmem:s23+$0xFFFFFFE0] =	vst v5  }
0x42: {  	[tilespmem:s23+$0xFFFFFFF0] =	vst v4  }
0x43: {  	s24 =	sshll.u32 s18, $0xF;
	[tilespmem:s23+$0x0] =	vst v2  }
0x44: {  	s24 =	sadd.s32 s19, s24;
	[tilespmem:s23+$0x10] =	vst v1  }
0x45: {  	s24 =	sshrl.u32 s24, $0x3;
	[tilespmem:s23+$0x20] =	vst v0  }
0x46: {  	s31 =	sadd.s32 s4, s24;
	[tilespmem:s23+$0xFFFFFFC0] =	vst v3;
	s23 =	simm.s32 @!p0 $0x2  }
0x47: {  	[hbm4b:s31+s8] =	stream.strided.scatter [tilespmem:s12], [sflag:$0x1], $0x800, s9, s8, $0x38;
	[tilespmem:$0x1D700] =	vst v63  }
0x48: {  	_ =	swait.ge @!p0 [sflag:s23], $0x800  }
0x49: {  	[sflag:s23] =	ssyncset.done @!p0 $0x0  }
0x4a: {  	[sflag:s23] =	ssyncadd.s32 @!p0 $0xFFFFF800  }
0x4b: {  	v0 =	vld [tilespmem:s21+$0x0]  }
0x4c: {  	v1 =	vld [tilespmem:s21+$0xFFFFFFA0]  }
0x4d: {  	v2 =	vld [tilespmem:s21+$0xFFFFFFB0]  }
0x4e: {  	v3 =	vld [tilespmem:s21+$0xFFFFFFC0]  }
0x4f: {  	v6 =	vld [tilespmem:s21+$0xFFFFFFD0]  }
0x50: {  	v7 =	vld [tilespmem:s21+$0xFFFFFFE0]  }
0x51: {  	v8 =	vld [tilespmem:s21+$0xFFFFFFF0]  }
0x52: {  	v9 =	vld [tilespmem:s21+$0xFFFFFF90]  }
0x53: {  	v10 =	vld.idx.msk [tilespmem:v0+s5+$0x0], $0xffff  }
0x54: {  	v11 =	vld.idx.msk [tilespmem:v1+s5+$0x0], $0xffff  }
0x55: {  	v5 =	vld.idx.msk [tilespmem:v2+s5+$0x0], $0xffff  }
0x56: {  	v4 =	vld.idx.msk [tilespmem:v3+s5+$0x0], $0xffff  }
0x57: {  	v2 =	vld.idx.msk [tilespmem:v6+s5+$0x0], $0xffff  }
0x58: {  	s23 =	simm.s32 $0x1CF40;
	v1 =	vld.idx.msk [tilespmem:v7+s5+$0x0], $0xffff  }
0x59: {  	v0 =	vld.idx.msk [tilespmem:v8+s5+$0x0], $0xffff;
	[tilespmem:s23+$0x30] =	vst v10  }
0x5a: {  	s22 =	sor.u32 $0x1, s22;
	s25 =	sadd.s32 $0x80, s21;
	s24 =	simm.s32 $0x0;
	v3 =	vld.idx.msk [tilespmem:v9+s5+$0x0], $0xffff;
	[tilespmem:s23+$0xFFFFFFD0] =	vst v11  }
.LBB2_6:
0x5b: {  	v6 =	vld [tilespmem:s25+$0x0];
	s24 =	sadd.s32 $0x80, s24;
	[tilespmem:s23+$0xFFFFFFE0] =	vst v5  }
0x5c: {  	v5 =	vld [tilespmem:s25+$0xFFFFFFA0];
	p0 =	slt.u32 s24, $0x780;
	[tilespmem:s23+$0xFFFFFFF0] =	vst v4  }
0x5d: {  	v4 =	vld [tilespmem:s25+$0xFFFFFFB0];
	[tilespmem:s23+$0x0] =	vst v2  }
0x5e: {  	v2 =	vld [tilespmem:s25+$0xFFFFFFC0];
	[tilespmem:s23+$0x10] =	vst v1  }
0x5f: {  	v1 =	vld [tilespmem:s25+$0xFFFFFFD0];
	[tilespmem:s23+$0x20] =	vst v0  }
0x60: {  	v0 =	vld [tilespmem:s25+$0xFFFFFFE0];
	[tilespmem:s23+$0xFFFFFFC0] =	vst v3  }
0x61: {  	v3 =	vld [tilespmem:s25+$0xFFFFFFF0]  }
0x62: {  	v7 =	vld [tilespmem:s25+$0xFFFFFF90]  }
0x63: {  	v6 =	vld.idx.msk [tilespmem:v6+s5+$0x0], $0xffff  }
0x64: {  	v8 =	vld.idx.msk [tilespmem:v5+s5+$0x0], $0xffff  }
0x65: {  	v5 =	vld.idx.msk [tilespmem:v4+s5+$0x0], $0xffff  }
.Ltmp1:
0x66: {  	v4 =	vld.idx.msk [tilespmem:v2+s5+$0x0], $0xffff;
	(pc) =	sbr.rel @p0 .LBB2_6-.Ltmp1, $4  }
0x67: {  	v2 =	vld.idx.msk [tilespmem:v1+s5+$0x0], $0xffff  }
0x68: {  	s23 =	sadd.s32 $0x80, s23;
	v1 =	vld.idx.msk [tilespmem:v0+s5+$0x0], $0xffff  }
0x69: {  	v0 =	vld.idx.msk [tilespmem:v3+s5+$0x0], $0xffff;
	[tilespmem:s23+$0x30] =	vst v6  }
0x6a: {  	s25 =	sadd.s32 $0x80, s25;
	v3 =	vld.idx.msk [tilespmem:v7+s5+$0x0], $0xffff;
	[tilespmem:s23+$0xFFFFFFD0] =	vst v8  }
0x6b: {  	[tilespmem:s23+$0xFFFFFFE0] =	vst v5;
	s18 =	sadd.s32 $0x1, s18  }
0x6c: {  	[tilespmem:s23+$0xFFFFFFF0] =	vst v4;
	p0 =	sne.s32 s18, $0x4  }
.Ltmp2:
0x6d: {  	s22 =	sshll.u32 s22, $0xE;
	[tilespmem:s23+$0x0] =	vst v2;
	(pc) =	sbr.rel @p0 .LBB2_3-.Ltmp2, $4  }
0x6e: {  	s22 =	sadd.s32 s19, s22;
	[tilespmem:s23+$0x10] =	vst v1  }
0x6f: {  	s22 =	sshrl.u32 s22, $0x3;
	[tilespmem:s23+$0x20] =	vst v0  }
0x70: {  	s20 =	sadd.s32 $0x1000, s20;
	s21 =	sadd.s32 $0x1000, s21;
	s22 =	sadd.s32 s4, s22;
	[tilespmem:s23+$0xFFFFFFC0] =	vst v3  }
0x71: {  	[hbm4b:s22+s8] =	stream.strided.scatter [tilespmem:s13], [sflag:$0x2], $0x800, s9, s8, $0x38;
	[tilespmem:$0x1D700] =	vst v63  }
0x72: {  	s17 =	sadd.s32 $0x1, s17  }
0x73: {  	_ =	swait.ge [sflag:s14], $0x800;
	p0 =	sne.s32 s17, $0xD  }
.Ltmp3:
0x74: {  	[sflag:s14] =	ssyncset.done $0x0;
	(pc) =	sbr.rel @p0 .LBB2_2-.Ltmp3, $4  }
0x75: {  	[sflag:s14] =	ssyncadd.s32 $0xFFFFF800  }
0x76: {  	_ =	swait.ge [sflag:s15], $0x800  }
0x77: {  	[sflag:s15] =	ssyncset.done $0x0  }
0x78: {  	[sflag:s15] =	ssyncadd.s32 $0xFFFFF800  }
0x79: {  	s16 =	sadd.s32 $0x1, s16  }
0x7a: {  	p0 =	sne.s32 s16, s7  }
.Ltmp4:
0x7b: {  	_ = 	snop;
	(pc) =	sbr.rel @p0 .LBB2_1-.Ltmp4, $1  }
0x7c: {  	_ =	sdelay $0x3  }
0x7d: {  	_ =	sfence.sel $0x180000  }
0x7e: {  	[bflag:$0x0] =	sbarrier.arrive $0xFFFF  }
0x7f: {  	p0 =	sne.s32 s3, $0x0;
	_ =	strace $0x90000047  }
0x80: {  	s0 =	sadd.s32 @!p0 $0x100000, s0;
	[bflag:$0x2] =	sbarrier.arrive $0xFFFF  }
0x81: {  	[sflag:s0] =	ssyncadd.tile.s32 @!p0 $0x1;
	_ =	shalt  }
.Lfunc_end2:
_tile_overlayer_lowered:
.L_overlay_start_2:
0x82: {  	(tag) =	ssettag $0x2  }
0x83: {  	s0 =	rddreg [dreg:$0x0];
	s2 =	stileid.u32  }
0x84: {  	s1 =	rddreg [dreg:$0x1];
	p0 =	sne.s32 s2, $0x0  }
0x85: {  	s3 =	rddreg [dreg:$0x2];
	[bflag:$0x3] =	sbarrier.arrive $0xFFFF;
	s2 =	simm.s32 @!p0 $0x1C03  }
0x86: {  	[timem:s3], [sflag:s2] =	dma.local @!p0 [hbm:s0], s1  }
0x87: {  	s0 =	simm.s32 @!p0 $0x3  }
0x88: {  	_ =	swait.ge @!p0 [sflag:s0], s1  }
0x89: {  	s1 =	ssub.s32 @!p0 $0x0, s1;
	[sflag:s0] =	ssyncset.done @!p0 $0x0  }
0x8a: {  	[sflag:s0] =	ssyncadd.s32 @!p0 s1  }
0x8b: {  	[bflag:$0x3] =	sbarrier.arrive $0xFFFF  }
0x8c: {  	_ =	shalt  }

</sc_bundles>
